<compile_context>
chip_gen: v7x
topology: tpu7x:2x2x1
jax: 0.10.2.dev20260603
libtpu: 0.0.44.dev20260713+nightly
codegen_flags: <defaults>
</compile_context>

<pallas_src>
import functools

import jax
import jax.numpy as jnp
from jax import lax
from jax.experimental import pallas as pl
from jax.experimental.pallas import tpu as pltpu
from jax.experimental.pallas import tpu_sc as plsc

VOCAB = 1000000
DIM = 64
SEQ = 200
BATCH = 4096

NC = 2
NS = 16
NW = NC * NS

B = SEQ * BATCH
PER_W = B // NW
GCH = 128
NCHG = PER_W // GCH
NBUF = 4
KAHEAD = 3


def _emb_kernel(table_hbm, idx_hbm, out_hbm, idx_v, rows_v, gsem, osem):
    wid = lax.axis_index("s") * NC + lax.axis_index("c")
    base2 = wid * PER_W * 2

    pltpu.sync_copy(idx_hbm.at[wid], idx_v)

    for g in range(KAHEAD):
        pltpu.async_copy(table_hbm.at[idx_v.at[g]], rows_v.at[g], gsem)

    def body(j, _):
        b = lax.rem(j, NBUF)
        pltpu.make_async_copy(
            table_hbm.at[idx_v.at[0]], rows_v.at[b], gsem
        ).wait()
        pltpu.async_copy(
            rows_v.at[b], out_hbm.at[pl.ds(base2 + j * 2 * GCH, 2 * GCH)],
            osem,
        )

        @pl.when(j >= NBUF - KAHEAD)
        def _():
            pltpu.make_async_copy(
                rows_v.at[b], out_hbm.at[pl.ds(base2, 2 * GCH)], osem
            ).wait()

        @pl.when(j + KAHEAD < NCHG)
        def _():
            bn = lax.rem(j + KAHEAD, NBUF)
            pltpu.async_copy(
                table_hbm.at[idx_v.at[j + KAHEAD]], rows_v.at[bn], gsem
            )

        return 0

    lax.fori_loop(0, NCHG, body, 0)

    for _ in range(NBUF - KAHEAD):
        pltpu.make_async_copy(
            rows_v.at[0], out_hbm.at[pl.ds(base2, 2 * GCH)], osem
        ).wait()


@jax.jit
def _emb(table, idx3):
    mesh = plsc.VectorSubcoreMesh(
        core_axis_name="c", subcore_axis_name="s",
        num_cores=NC, num_subcores=NS,
    )
    run = pl.kernel(
        _emb_kernel,
        out_type=jax.ShapeDtypeStruct((2 * B, DIM), jnp.float32),
        mesh=mesh,
        scratch_types=[
            pltpu.VMEM((NCHG, 2 * GCH), jnp.int32),
            pltpu.VMEM((NBUF, 2 * GCH, DIM), jnp.float32),
            pltpu.SemaphoreType.DMA,
            pltpu.SemaphoreType.DMA,
        ],
        compiler_params=pltpu.CompilerParams(use_tc_tiling_on_sc=False),
    )
    return run(table, idx3)


def kernel(src_input, table):
    idx = src_input.reshape(B).astype(jnp.int32)
    idxr = jnp.repeat(idx, 2)
    idx3 = idxr.reshape(NW, NCHG, 2 * GCH)
    out = _emb(table, idx3)
    emb = out.reshape(B, 2 * DIM)[:, :DIM]
    return emb.reshape(SEQ, BATCH, DIM)

# --- scband reference (transcript-rebuilt; emitter-appended) ---
"""Pipeline reference for scband-embeddings-24739011625335 (READ-ONLY COPY).

The authoritative reference and input builder live on the scoring server;
editing this copy changes nothing except your own understanding.
"""

import jax, jax.numpy as jnp
import numpy as np

VOCAB = 1000000
DIM = 64
SEQ = 200
BATCH = 4096
PAD = 0  # onmt.Constants.PAD


def setup_inputs(seed: int = 0) -> dict:
    key = jax.random.key(seed)
    k_idx, k_tab = jax.random.split(key)
    src_input = jax.random.randint(k_idx, (SEQ, BATCH, 1), 0, VOCAB)
    table = jax.random.normal(k_tab, (VOCAB, DIM), dtype=jnp.float32)
    # nn.Embedding(padding_idx=PAD) zeros the padding row at init
    table = table.at[PAD].set(0.0)
    return {"src_input": src_input, "table": table}


def reference(src_input, table):
    # Embeddings.forward with a single emb_lut (feature_dicts=None,
    # position_encoding=False):
    #   emb = self.word_lut(src_input.squeeze(2))
    idx = jnp.squeeze(src_input, axis=2)  # [len, batch]
    emb = jnp.take(table, idx, axis=0)    # [len, batch, word_vec_size]
    return emb

if __name__ == "__main__":
    import jax
    _d = setup_inputs()
    print(jax.jit(kernel)(*tuple(_d.values())))

</pallas_src>

<mosaic_0001>
#map = affine_map<(d0, d1) -> (0, 0)>
#map1 = affine_map<(d0, d1) -> (0, 0, 0)>
module attributes {stable_mosaic.version = 14 : i64} {
  func.func @_emb_kernel(%arg0: i32, %arg1: i32, %arg2: memref<1000000x64xf32, #tpu.memory_space<hbm>>, %arg3: memref<32x200x256xi32, #tpu.memory_space<hbm>>, %arg4: memref<1638400x64xf32, #tpu.memory_space<hbm>>, %arg5: memref<200x256xi32, #tpu.memory_space<vmem>>, %arg6: memref<4x256x64xf32, #tpu.memory_space<vmem>>, %arg7: memref<!tpu.dma_semaphore, #tpu.memory_space<semaphore_mem>>, %arg8: memref<!tpu.dma_semaphore, #tpu.memory_space<semaphore_mem>>) attributes {dimension_semantics = [#tpu.dimension_semantics<core_parallel>, #tpu.dimension_semantics<subcore_parallel>], iteration_bounds = array<i64: 2, 16>, scalar_prefetch = 0 : i64, scratch_operands = 4 : i64, tpu.core_type = #tpu.core_type<sc_vector_subcore>, window_params = [{transform_indices = #map}, {transform_indices = #map1}, {transform_indices = #map}]} {
    %mul3A = arith.constant 2 : i32
    %mul3A_0 = arith.muli %arg1, %mul3A : i32
    %add3A = arith.addi %mul3A_0, %arg0 : i32
    %mul3A_1 = arith.constant 25600 : i32
    %mul3A_2 = arith.muli %add3A, %mul3A_1 : i32
    %mul3A_3 = arith.constant 2 : i32
    %mul3A_4 = arith.muli %mul3A_2, %mul3A_3 : i32
    "tpu.region"() ({
      %run_scoped3A = tpu.sem_alloc : memref<!tpu.dma_semaphore, #tpu.memory_space<semaphore_mem>>
      %dma_start3A_58 = arith.constant 0 : i32
      %dma_start3A_59 = arith.constant 0 : i32
      %dma_start3A_60 = tpu.memref_slice %arg3[%add3A, %dma_start3A_58, %dma_start3A_59] : memref<32x200x256xi32, #tpu.memory_space<hbm>> -> memref<1x200x256xi32, #tpu.memory_space<hbm>>
      %dma_start3A_61 = tpu.memref_squeeze %dma_start3A_60 : memref<1x200x256xi32, #tpu.memory_space<hbm>> -> memref<200x256xi32, #tpu.memory_space<hbm>>
      %dma_start3A_62 = arith.constant 0 : i32
      %dma_start3A_63 = arith.constant 0 : i32
      %dma_start3A_64 = tpu.memref_slice %arg3[%add3A, %dma_start3A_62, %dma_start3A_63] : memref<32x200x256xi32, #tpu.memory_space<hbm>> -> memref<1x200x256xi32, #tpu.memory_space<hbm>>
      %dma_start3A_65 = tpu.memref_squeeze %dma_start3A_64 : memref<1x200x256xi32, #tpu.memory_space<hbm>> -> memref<200x256xi32, #tpu.memory_space<hbm>>
      tpu.enqueue_dma source(%dma_start3A_65 : memref<200x256xi32, #tpu.memory_space<hbm>>) target(%arg5 : memref<200x256xi32, #tpu.memory_space<vmem>>) target_semaphore(%run_scoped3A : memref<!tpu.dma_semaphore, #tpu.memory_space<semaphore_mem>>)
      %dma_wait3A_66 = arith.constant 0 : i32
      %dma_wait3A_67 = arith.constant 0 : i32
      %dma_wait3A_68 = tpu.memref_slice %arg3[%add3A, %dma_wait3A_66, %dma_wait3A_67] : memref<32x200x256xi32, #tpu.memory_space<hbm>> -> memref<1x200x256xi32, #tpu.memory_space<hbm>>
      %dma_wait3A_69 = tpu.memref_squeeze %dma_wait3A_68 : memref<1x200x256xi32, #tpu.memory_space<hbm>> -> memref<200x256xi32, #tpu.memory_space<hbm>>
      %dma_wait3A_70 = arith.constant 0 : i32
      %dma_wait3A_71 = arith.constant 0 : i32
      %dma_wait3A_72 = tpu.memref_slice %arg3[%add3A, %dma_wait3A_70, %dma_wait3A_71] : memref<32x200x256xi32, #tpu.memory_space<hbm>> -> memref<1x200x256xi32, #tpu.memory_space<hbm>>
      %dma_wait3A_73 = tpu.memref_squeeze %dma_wait3A_72 : memref<1x200x256xi32, #tpu.memory_space<hbm>> -> memref<200x256xi32, #tpu.memory_space<hbm>>
      tpu.wait_dma2 semaphore(%run_scoped3A : memref<!tpu.dma_semaphore, #tpu.memory_space<semaphore_mem>>) src(%dma_wait3A_73 : memref<200x256xi32, #tpu.memory_space<hbm>>) dst(%arg5 : memref<200x256xi32, #tpu.memory_space<vmem>>)
      tpu.yield
    }) : () -> ()
    %dma_start3A = arith.constant 0 : i32
    %dma_start3A_5 = arith.constant 0 : i32
    %dma_start3A_6 = arith.constant 0 : i32
    %dma_start3A_7 = arith.constant 0 : i32
    %dma_start3A_8 = tpu.memref_slice %arg6[%dma_start3A_5, %dma_start3A_6, %dma_start3A_7] : memref<4x256x64xf32, #tpu.memory_space<vmem>> -> memref<1x256x64xf32, #tpu.memory_space<vmem>>
    %dma_start3A_9 = tpu.memref_squeeze %dma_start3A_8 : memref<1x256x64xf32, #tpu.memory_space<vmem>> -> memref<256x64xf32, #tpu.memory_space<vmem>>
    %dma_start3A_10 = arith.constant 0 : i32
    %dma_start3A_11 = tpu.memref_slice %arg5[%dma_start3A, %dma_start3A_10] : memref<200x256xi32, #tpu.memory_space<vmem>> -> memref<1x256xi32, #tpu.memory_space<vmem>>
    %dma_start3A_12 = tpu.memref_squeeze %dma_start3A_11 : memref<1x256xi32, #tpu.memory_space<vmem>> -> memref<256xi32, #tpu.memory_space<vmem>>
    %dma_start3A_13 = arith.constant 0 : i32
    %dma_start3A_14 = arith.constant 0 : i32
    %dma_start3A_15 = tpu.memref_slice %arg2[%dma_start3A_13, %dma_start3A_14] : memref<1000000x64xf32, #tpu.memory_space<hbm>> -> memref<1000000x64xf32, #tpu.memory_space<hbm>>
    tpu.enqueue_indirect_dma source(%dma_start3A_15 : memref<1000000x64xf32, #tpu.memory_space<hbm>>) target(%dma_start3A_9 : memref<256x64xf32, #tpu.memory_space<vmem>>) offsets(%dma_start3A_12 : memref<256xi32, #tpu.memory_space<vmem>>) semaphore(%arg7 : memref<!tpu.dma_semaphore, #tpu.memory_space<semaphore_mem>>)
    %dma_start3A_16 = arith.constant 1 : i32
    %dma_start3A_17 = arith.constant 1 : i32
    %dma_start3A_18 = arith.constant 0 : i32
    %dma_start3A_19 = arith.constant 0 : i32
    %dma_start3A_20 = tpu.memref_slice %arg6[%dma_start3A_17, %dma_start3A_18, %dma_start3A_19] : memref<4x256x64xf32, #tpu.memory_space<vmem>> -> memref<1x256x64xf32, #tpu.memory_space<vmem>>
    %dma_start3A_21 = tpu.memref_squeeze %dma_start3A_20 : memref<1x256x64xf32, #tpu.memory_space<vmem>> -> memref<256x64xf32, #tpu.memory_space<vmem>>
    %dma_start3A_22 = arith.constant 0 : i32
    %dma_start3A_23 = tpu.memref_slice %arg5[%dma_start3A_16, %dma_start3A_22] : memref<200x256xi32, #tpu.memory_space<vmem>> -> memref<1x256xi32, #tpu.memory_space<vmem>>
    %dma_start3A_24 = tpu.memref_squeeze %dma_start3A_23 : memref<1x256xi32, #tpu.memory_space<vmem>> -> memref<256xi32, #tpu.memory_space<vmem>>
    %dma_start3A_25 = arith.constant 0 : i32
    %dma_start3A_26 = arith.constant 0 : i32
    %dma_start3A_27 = tpu.memref_slice %arg2[%dma_start3A_25, %dma_start3A_26] : memref<1000000x64xf32, #tpu.memory_space<hbm>> -> memref<1000000x64xf32, #tpu.memory_space<hbm>>
    tpu.enqueue_indirect_dma source(%dma_start3A_27 : memref<1000000x64xf32, #tpu.memory_space<hbm>>) target(%dma_start3A_21 : memref<256x64xf32, #tpu.memory_space<vmem>>) offsets(%dma_start3A_24 : memref<256xi32, #tpu.memory_space<vmem>>) semaphore(%arg7 : memref<!tpu.dma_semaphore, #tpu.memory_space<semaphore_mem>>)
    %dma_start3A_28 = arith.constant 2 : i32
    %dma_start3A_29 = arith.constant 2 : i32
    %dma_start3A_30 = arith.constant 0 : i32
    %dma_start3A_31 = arith.constant 0 : i32
    %dma_start3A_32 = tpu.memref_slice %arg6[%dma_start3A_29, %dma_start3A_30, %dma_start3A_31] : memref<4x256x64xf32, #tpu.memory_space<vmem>> -> memref<1x256x64xf32, #tpu.memory_space<vmem>>
    %dma_start3A_33 = tpu.memref_squeeze %dma_start3A_32 : memref<1x256x64xf32, #tpu.memory_space<vmem>> -> memref<256x64xf32, #tpu.memory_space<vmem>>
    %dma_start3A_34 = arith.constant 0 : i32
    %dma_start3A_35 = tpu.memref_slice %arg5[%dma_start3A_28, %dma_start3A_34] : memref<200x256xi32, #tpu.memory_space<vmem>> -> memref<1x256xi32, #tpu.memory_space<vmem>>
    %dma_start3A_36 = tpu.memref_squeeze %dma_start3A_35 : memref<1x256xi32, #tpu.memory_space<vmem>> -> memref<256xi32, #tpu.memory_space<vmem>>
    %dma_start3A_37 = arith.constant 0 : i32
    %dma_start3A_38 = arith.constant 0 : i32
    %dma_start3A_39 = tpu.memref_slice %arg2[%dma_start3A_37, %dma_start3A_38] : memref<1000000x64xf32, #tpu.memory_space<hbm>> -> memref<1000000x64xf32, #tpu.memory_space<hbm>>
    tpu.enqueue_indirect_dma source(%dma_start3A_39 : memref<1000000x64xf32, #tpu.memory_space<hbm>>) target(%dma_start3A_33 : memref<256x64xf32, #tpu.memory_space<vmem>>) offsets(%dma_start3A_36 : memref<256xi32, #tpu.memory_space<vmem>>) semaphore(%arg7 : memref<!tpu.dma_semaphore, #tpu.memory_space<semaphore_mem>>)
    %scan3A = arith.constant 0 : i32
    %scan3A_40 = arith.constant 0 : i32
    %scan3A_41 = arith.constant 200 : i32
    %scan3A_42 = arith.addi %scan3A_40, %scan3A_41 : i32
    %scan3A_43 = arith.constant 1 : i32
    %scan3A_44 = scf.for %scan3A_58 = %scan3A_40 to %scan3A_42 step %scan3A_43 iter_args(%scan3A_59 = %scan3A) -> (i32)  : i32 {
      %rem3A = arith.constant 4 : i32
      %rem3A_60 = arith.remsi %scan3A_58, %rem3A : i32
      %dma_wait3A_61 = arith.constant 0 : i32
      %dma_wait3A_62 = arith.constant 0 : i32
      %dma_wait3A_63 = arith.constant 0 : i32
      %dma_wait3A_64 = tpu.memref_slice %arg6[%rem3A_60, %dma_wait3A_62, %dma_wait3A_63] : memref<4x256x64xf32, #tpu.memory_space<vmem>> -> memref<1x256x64xf32, #tpu.memory_space<vmem>>
      %dma_wait3A_65 = tpu.memref_squeeze %dma_wait3A_64 : memref<1x256x64xf32, #tpu.memory_space<vmem>> -> memref<256x64xf32, #tpu.memory_space<vmem>>
      %dma_wait3A_66 = arith.constant 0 : i32
      %dma_wait3A_67 = tpu.memref_slice %arg5[%dma_wait3A_61, %dma_wait3A_66] : memref<200x256xi32, #tpu.memory_space<vmem>> -> memref<1x256xi32, #tpu.memory_space<vmem>>
      %dma_wait3A_68 = tpu.memref_squeeze %dma_wait3A_67 : memref<1x256xi32, #tpu.memory_space<vmem>> -> memref<256xi32, #tpu.memory_space<vmem>>
      %dma_wait3A_69 = arith.constant 0 : i32
      %dma_wait3A_70 = arith.constant 0 : i32
      %dma_wait3A_71 = tpu.memref_slice %arg2[%dma_wait3A_69, %dma_wait3A_70] : memref<1000000x64xf32, #tpu.memory_space<hbm>> -> memref<1000000x64xf32, #tpu.memory_space<hbm>>
      tpu.wait_indirect_dma semaphore(%arg7 : memref<!tpu.dma_semaphore, #tpu.memory_space<semaphore_mem>>) src(%dma_wait3A_71 : memref<1000000x64xf32, #tpu.memory_space<hbm>>) dst(%dma_wait3A_65 : memref<256x64xf32, #tpu.memory_space<vmem>>)
      %mul3A_72 = arith.constant 2 : i32
      %mul3A_73 = arith.muli %scan3A_58, %mul3A_72 : i32
      %mul3A_74 = arith.constant 128 : i32
      %mul3A_75 = arith.muli %mul3A_73, %mul3A_74 : i32
      %add3A_76 = arith.addi %mul3A_4, %mul3A_75 : i32
      %dma_start3A_77 = arith.constant 0 : i32
      %dma_start3A_78 = arith.constant 0 : i32
      %dma_start3A_79 = tpu.memref_slice %arg6[%rem3A_60, %dma_start3A_77, %dma_start3A_78] : memref<4x256x64xf32, #tpu.memory_space<vmem>> -> memref<1x256x64xf32, #tpu.memory_space<vmem>>
      %dma_start3A_80 = tpu.memref_squeeze %dma_start3A_79 : memref<1x256x64xf32, #tpu.memory_space<vmem>> -> memref<256x64xf32, #tpu.memory_space<vmem>>
      %dma_start3A_81 = arith.constant 0 : i32
      %dma_start3A_82 = tpu.memref_slice %arg4[%add3A_76, %dma_start3A_81] : memref<1638400x64xf32, #tpu.memory_space<hbm>> -> memref<256x64xf32, #tpu.memory_space<hbm>>
      %dma_start3A_83 = arith.constant 0 : i32
      %dma_start3A_84 = tpu.memref_slice %arg4[%add3A_76, %dma_start3A_83] : memref<1638400x64xf32, #tpu.memory_space<hbm>> -> memref<256x64xf32, #tpu.memory_space<hbm>>
      %dma_start3A_85 = arith.constant 0 : i32
      %dma_start3A_86 = arith.constant 0 : i32
      %dma_start3A_87 = tpu.memref_slice %arg6[%rem3A_60, %dma_start3A_85, %dma_start3A_86] : memref<4x256x64xf32, #tpu.memory_space<vmem>> -> memref<1x256x64xf32, #tpu.memory_space<vmem>>
      %dma_start3A_88 = tpu.memref_squeeze %dma_start3A_87 : memref<1x256x64xf32, #tpu.memory_space<vmem>> -> memref<256x64xf32, #tpu.memory_space<vmem>>
      tpu.enqueue_dma source(%dma_start3A_88 : memref<256x64xf32, #tpu.memory_space<vmem>>) target(%dma_start3A_84 : memref<256x64xf32, #tpu.memory_space<hbm>>) target_semaphore(%arg8 : memref<!tpu.dma_semaphore, #tpu.memory_space<semaphore_mem>>)
      %ge3A = arith.constant 1 : i32
      %ge3A_89 = arith.cmpi sge, %scan3A_58, %ge3A : i32
      %convert_element_type3A = arith.extui %ge3A_89 : i1 to i32
      %cond3A = arith.constant 0 : i32
      %cond3A_90 = arith.cmpi ne, %convert_element_type3A, %cond3A : i32
      scf.if %cond3A_90 {
        %dma_wait3A_98 = arith.constant 0 : i32
        %dma_wait3A_99 = arith.constant 0 : i32
        %dma_wait3A_100 = tpu.memref_slice %arg6[%rem3A_60, %dma_wait3A_98, %dma_wait3A_99] : memref<4x256x64xf32, #tpu.memory_space<vmem>> -> memref<1x256x64xf32, #tpu.memory_space<vmem>>
        %dma_wait3A_101 = tpu.memref_squeeze %dma_wait3A_100 : memref<1x256x64xf32, #tpu.memory_space<vmem>> -> memref<256x64xf32, #tpu.memory_space<vmem>>
        %dma_wait3A_102 = arith.constant 0 : i32
        %dma_wait3A_103 = tpu.memref_slice %arg4[%mul3A_4, %dma_wait3A_102] : memref<1638400x64xf32, #tpu.memory_space<hbm>> -> memref<256x64xf32, #tpu.memory_space<hbm>>
        %dma_wait3A_104 = arith.constant 0 : i32
        %dma_wait3A_105 = tpu.memref_slice %arg4[%mul3A_4, %dma_wait3A_104] : memref<1638400x64xf32, #tpu.memory_space<hbm>> -> memref<256x64xf32, #tpu.memory_space<hbm>>
        %dma_wait3A_106 = arith.constant 0 : i32
        %dma_wait3A_107 = arith.constant 0 : i32
        %dma_wait3A_108 = tpu.memref_slice %arg6[%rem3A_60, %dma_wait3A_106, %dma_wait3A_107] : memref<4x256x64xf32, #tpu.memory_space<vmem>> -> memref<1x256x64xf32, #tpu.memory_space<vmem>>
        %dma_wait3A_109 = tpu.memref_squeeze %dma_wait3A_108 : memref<1x256x64xf32, #tpu.memory_space<vmem>> -> memref<256x64xf32, #tpu.memory_space<vmem>>
        tpu.wait_dma2 semaphore(%arg8 : memref<!tpu.dma_semaphore, #tpu.memory_space<semaphore_mem>>) src(%dma_wait3A_109 : memref<256x64xf32, #tpu.memory_space<vmem>>) dst(%dma_wait3A_105 : memref<256x64xf32, #tpu.memory_space<hbm>>)
      } else {
      }
      %add3A_91 = arith.constant 3 : i32
      %add3A_92 = arith.addi %scan3A_58, %add3A_91 : i32
      %lt3A = arith.constant 200 : i32
      %lt3A_93 = arith.cmpi slt, %add3A_92, %lt3A : i32
      %convert_element_type3A_94 = arith.extui %lt3A_93 : i1 to i32
      %cond3A_95 = arith.constant 0 : i32
      %cond3A_96 = arith.cmpi ne, %convert_element_type3A_94, %cond3A_95 : i32
      scf.if %cond3A_96 {
        %add3A_98 = arith.constant 3 : i32
        %add3A_99 = arith.addi %scan3A_58, %add3A_98 : i32
        %rem3A_100 = arith.constant 4 : i32
        %rem3A_101 = arith.remsi %add3A_99, %rem3A_100 : i32
        %add3A_102 = arith.constant 3 : i32
        %add3A_103 = arith.addi %scan3A_58, %add3A_102 : i32
        %dma_start3A_104 = arith.constant 0 : i32
        %dma_start3A_105 = arith.constant 0 : i32
        %dma_start3A_106 = tpu.memref_slice %arg6[%rem3A_101, %dma_start3A_104, %dma_start3A_105] : memref<4x256x64xf32, #tpu.memory_space<vmem>> -> memref<1x256x64xf32, #tpu.memory_space<vmem>>
        %dma_start3A_107 = tpu.memref_squeeze %dma_start3A_106 : memref<1x256x64xf32, #tpu.memory_space<vmem>> -> memref<256x64xf32, #tpu.memory_space<vmem>>
        %dma_start3A_108 = arith.constant 0 : i32
        %dma_start3A_109 = tpu.memref_slice %arg5[%add3A_103, %dma_start3A_108] : memref<200x256xi32, #tpu.memory_space<vmem>> -> memref<1x256xi32, #tpu.memory_space<vmem>>
        %dma_start3A_110 = tpu.memref_squeeze %dma_start3A_109 : memref<1x256xi32, #tpu.memory_space<vmem>> -> memref<256xi32, #tpu.memory_space<vmem>>
        %dma_start3A_111 = arith.constant 0 : i32
        %dma_start3A_112 = arith.constant 0 : i32
        %dma_start3A_113 = tpu.memref_slice %arg2[%dma_start3A_111, %dma_start3A_112] : memref<1000000x64xf32, #tpu.memory_space<hbm>> -> memref<1000000x64xf32, #tpu.memory_space<hbm>>
        tpu.enqueue_indirect_dma source(%dma_start3A_113 : memref<1000000x64xf32, #tpu.memory_space<hbm>>) target(%dma_start3A_107 : memref<256x64xf32, #tpu.memory_space<vmem>>) offsets(%dma_start3A_110 : memref<256xi32, #tpu.memory_space<vmem>>) semaphore(%arg7 : memref<!tpu.dma_semaphore, #tpu.memory_space<semaphore_mem>>)
      } else {
      }
      %scan3A_97 = arith.constant 0 : i32
      scf.yield %scan3A_97 : i32
    }
    %scan3A_45 = arith.constant 200 : i32
    %dma_wait3A = arith.constant 0 : i32
    %dma_wait3A_46 = arith.constant 0 : i32
    %dma_wait3A_47 = arith.constant 0 : i32
    %dma_wait3A_48 = tpu.memref_slice %arg6[%dma_wait3A, %dma_wait3A_46, %dma_wait3A_47] : memref<4x256x64xf32, #tpu.memory_space<vmem>> -> memref<1x256x64xf32, #tpu.memory_space<vmem>>
    %dma_wait3A_49 = tpu.memref_squeeze %dma_wait3A_48 : memref<1x256x64xf32, #tpu.memory_space<vmem>> -> memref<256x64xf32, #tpu.memory_space<vmem>>
    %dma_wait3A_50 = arith.constant 0 : i32
    %dma_wait3A_51 = tpu.memref_slice %arg4[%mul3A_4, %dma_wait3A_50] : memref<1638400x64xf32, #tpu.memory_space<hbm>> -> memref<256x64xf32, #tpu.memory_space<hbm>>
    %dma_wait3A_52 = arith.constant 0 : i32
    %dma_wait3A_53 = tpu.memref_slice %arg4[%mul3A_4, %dma_wait3A_52] : memref<1638400x64xf32, #tpu.memory_space<hbm>> -> memref<256x64xf32, #tpu.memory_space<hbm>>
    %dma_wait3A_54 = arith.constant 0 : i32
    %dma_wait3A_55 = arith.constant 0 : i32
    %dma_wait3A_56 = tpu.memref_slice %arg6[%dma_wait3A, %dma_wait3A_54, %dma_wait3A_55] : memref<4x256x64xf32, #tpu.memory_space<vmem>> -> memref<1x256x64xf32, #tpu.memory_space<vmem>>
    %dma_wait3A_57 = tpu.memref_squeeze %dma_wait3A_56 : memref<1x256x64xf32, #tpu.memory_space<vmem>> -> memref<256x64xf32, #tpu.memory_space<vmem>>
    tpu.wait_dma2 semaphore(%arg8 : memref<!tpu.dma_semaphore, #tpu.memory_space<semaphore_mem>>) src(%dma_wait3A_57 : memref<256x64xf32, #tpu.memory_space<vmem>>) dst(%dma_wait3A_53 : memref<256x64xf32, #tpu.memory_space<hbm>>)
    return
  }
}

</mosaic_0001>

<sc_bundles>
// kernel: _emb.3.cloned.1.call-start
scs
__scs_entry_jumppad:
0x0: {  	(pc) =	sbr.rel $0x88, $3  }
0x1: {  	(tag) =	ssettag $0x0;
	lr =	simm.s32 $0x1  }
0x2: {  	[smem:$0x3F9F] =	sst lr;
	_ =	strace $0xD0000000  }
0x3: {  	_ = 	snop  }
0x4: {  	_ = 	snop  }
0x5: {  	_ = 	snop  }
0x6: {  	_ = 	snop  }
0x7: {  	_ = 	snop  }
__scs_overlays_trampoline_lowered:
0x8: {  	[smem:$0x3FAE] =	sst s0  }
0x9: {  	[smem:$0x3FAF] =	sst s1  }
0xa: {  	[smem:$0x3FB0] =	sst s2  }
0xb: {  	[smem:$0x3FB1] =	sst s3  }
0xc: {  	[smem:$0x3FB2] =	sst s4  }
0xd: {  	[smem:$0x3FB3] =	sst s5  }
0xe: {  	[smem:$0x3FB4] =	sst s6  }
0xf: {  	[smem:$0x3FB5] =	sst s7  }
0x10: {  	[smem:$0x3FB6] =	sst s8  }
0x11: {  	[smem:$0x3FB7] =	sst s9;
	s0 =	simm.s32 @!p0 $0x0  }
0x12: {  	s1 =	sld [smem:$0x3F9D];
	s0 =	simm.s32 @p0 $0x1  }
0x13: {  	[smem:$0x3FB8] =	sst s0;
	s0 =	simm.s32 @!p1 $0x0  }
0x14: {  	s2 =	sld [smem:$0x3F9C];
	s0 =	simm.s32 @p1 $0x1  }
0x15: {  	[smem:$0x3FB9] =	sst s0;
	s0 =	simm.s32 @!p2 $0x0  }
0x16: {  	s3 =	sld [smem:$0x3FDB];
	s0 =	simm.s32 @p2 $0x1  }
0x17: {  	s4 =	simm.s32 $0x1BF5;
	[smem:$0x3FBB] =	sst s0  }
0x18: {  	s0 =	sld [smem:$0x3F9E];
	_ =	swait.ge [sflag:s4], $0x0  }
0x19: {  	s7 =	sld [smem:$0x3F9F]  }
0x1a: {  	s8 =	sadd.s32 $0xFFFFE003, lr  }
0x1b: {  	s9 =	sadd.s32 $0xFFFFFEF7, lr;
	s5 =	simm.s32 $0xFFFFFFFF;
	p2 =	slt.u32 s8, $0xFFFFF086  }
0x1c: {  	p1 =	slt.u32 s9, $0xF7A;
	s5 =	simm.s32 @!p2 $0x0  }
0x1d: {  	s5 =	simm.s32 @p1 $0x1;
	p0 =	seq.s32 s7, s2  }
0x1e: {  	s7 =	smul.u32 @!p0 $0xF7A, s2;
	p2 =	seq.s32 @!p0 s5, $0x0  }
0x1f: {  	s9 =	smul.u32 $0xF7A, s1;
	s8 =	simm.s32 @!p0 $0x1BF5;
	p2 =	por !p2, p0  }
0x20: {  	[sflag:s8] =	ssyncset.s32 @!p0 $0xFFFFF086;
	s6 =	sadd.s32 @!p0 s3, s7;
	s7 =	simm.s32 @!p0 $0x108  }
0x21: {  	s3 =	sadd.s32 s3, s9;
	s6 =	sadd.s32 @!p0 $0x88, s6;
	s7 =	simm.s32 @p2 $0x1082  }
0x22: {  	[simem:s7], [sflag:s8] =	dma.local @!p0 [hbm:s6], $0xF7A  }
0x23: {  	s9 =	sor.u32 $0xD0000000, s2;
	s6 =	simm.s32 $0x108;
	_ =	swait.ge @!p0 [sflag:s8], $0x0  }
0x24: {  	s3 =	sadd.s32 $0x88, s3;
	s6 =	simm.s32 @!p1 $0x1082;
	[sflag:s4] =	ssyncset.s32 $0xFFFFF086  }
0x25: {  	[simem:s6], [sflag:s4] =	dma.local [hbm:s3], $0xF7A  }
0x26: {  	[smem:$0x3F9F] =	sst s1;
	(tag) =	ssettag s2;
	_ =	strace s9  }
0x27: {  	s1 =	sld [smem:$0x3FAF]  }
0x28: {  	s2 =	sld [smem:$0x3FB0]  }
0x29: {  	s4 =	sld [smem:$0x3FB2]  }
0x2a: {  	p0 =	seq.s32 s5, $0x0;
	s5 =	sld [smem:$0x3FB3]  }
0x2b: {  	s6 =	sld [smem:$0x3FB4]  }
0x2c: {  	s7 =	sld [smem:$0x3FB5]  }
0x2d: {  	s3 =	simm.s32 $0x108;
	s8 =	sld [smem:$0x3FB6]  }
0x2e: {  	s3 =	simm.s32 @!p0 $0x1082;
	s9 =	sld [smem:$0x3FB7]  }
0x2f: {  	lr =	sadd.s32 s0, s3;
	s0 =	sld [smem:$0x3FAE]  }
0x30: {  	s3 =	sld [smem:$0x3FB1]  }
0x31: {  	[smem:$0x3FBA] =	sst s10  }
0x32: {  	s10 =	sld [smem:$0x3FB8];
	_ =	sdelay $0x3  }
0x33: {  	p0 =	seq.s32 s10, $0x1;
	s10 =	sld [smem:$0x3FBA];
	_ =	sdelay $0x3  }
0x34: {  	[smem:$0x3FBA] =	sst s10  }
0x35: {  	s10 =	sld [smem:$0x3FB9];
	_ =	sdelay $0x3  }
0x36: {  	p1 =	seq.s32 s10, $0x1;
	s10 =	sld [smem:$0x3FBA];
	_ =	sdelay $0x3  }
0x37: {  	[smem:$0x3FBA] =	sst s10  }
0x38: {  	s10 =	sld [smem:$0x3FBB]  }
0x39: {  	_ = 	snop;
	(pc) =	sbr.ind lr, $3  }
0x3a: {  	_ = 	snop  }
0x3b: {  	_ = 	snop  }
0x3c: {  	p2 =	seq.s32 s10, $0x1;
	s10 =	sld [smem:$0x3FBA]  }
0x3d: {  	_ =	shalt  }
0x3e: {  	_ =	shalt  }
0x3f: {  	_ =	shalt  }
0x40: {  	_ =	shalt  }
0x41: {  	_ =	shalt  }
0x42: {  	_ =	shalt  }
0x43: {  	_ =	shalt  }
0x44: {  	_ =	shalt  }
0x45: {  	_ =	shalt  }
0x46: {  	_ =	shalt  }
0x47: {  	_ =	shalt  }
0x48: {  	_ =	shalt  }
0x49: {  	_ =	shalt  }
0x4a: {  	_ =	shalt  }
0x4b: {  	_ =	shalt  }
0x4c: {  	_ =	shalt  }
0x4d: {  	_ =	shalt  }
0x4e: {  	_ =	shalt  }
0x4f: {  	_ =	shalt  }
0x50: {  	_ =	shalt  }
0x51: {  	_ =	shalt  }
0x52: {  	_ =	shalt  }
0x53: {  	_ =	shalt  }
0x54: {  	_ =	shalt  }
0x55: {  	_ =	shalt  }
0x56: {  	_ =	shalt  }
0x57: {  	_ =	shalt  }
0x58: {  	_ =	shalt  }
0x59: {  	_ =	shalt  }
0x5a: {  	_ =	shalt  }
0x5b: {  	_ =	shalt  }
0x5c: {  	_ =	shalt  }
0x5d: {  	_ =	shalt  }
0x5e: {  	_ =	shalt  }
0x5f: {  	_ =	shalt  }
0x60: {  	_ =	shalt  }
0x61: {  	_ =	shalt  }
0x62: {  	_ =	shalt  }
0x63: {  	_ =	shalt  }
0x64: {  	_ =	shalt  }
0x65: {  	_ =	shalt  }
0x66: {  	_ =	shalt  }
0x67: {  	_ =	shalt  }
0x68: {  	_ =	shalt  }
0x69: {  	_ =	shalt  }
0x6a: {  	_ =	shalt  }
0x6b: {  	_ =	shalt  }
0x6c: {  	_ =	shalt  }
0x6d: {  	_ =	shalt  }
0x6e: {  	_ =	shalt  }
0x6f: {  	_ =	shalt  }
0x70: {  	_ =	shalt  }
0x71: {  	_ =	shalt  }
0x72: {  	_ =	shalt  }
0x73: {  	_ =	shalt  }
0x74: {  	_ =	shalt  }
0x75: {  	_ =	shalt  }
0x76: {  	_ =	shalt  }
0x77: {  	_ =	shalt  }
0x78: {  	_ =	shalt  }
0x79: {  	_ =	shalt  }
0x7a: {  	_ =	shalt  }
0x7b: {  	_ =	shalt  }
0x7c: {  	_ =	shalt  }
0x7d: {  	_ =	shalt  }
0x7e: {  	_ =	shalt  }
0x7f: {  	_ =	shalt  }
0x80: {  	_ =	shalt  }
0x81: {  	_ =	shalt  }
0x82: {  	_ =	shalt  }
0x83: {  	_ =	shalt  }
0x84: {  	_ =	shalt  }
0x85: {  	_ =	shalt  }
0x86: {  	_ =	shalt  }
0x87: {  	_ =	shalt  }
.Lfunc_end0:
.L_simem_size_0:
called_computation.1_lowered:
.L_overlay_start_0:
0x88: {  	s2 =	sld [smem:$0x3FD9]  }
0x89: {  	s3 =	sld [smem:$0x3FFE];
	_ =	sdelay $0x1  }
0x8a: {  	s1 =	srdreg.scid  }
0x8b: {  	s0 =	sand.u32 $0x1, s1  }
0x8c: {  	s17 =	sshll.u32 s0, $0xA;
	s2 =	sadd.s32 s3, s2  }
0x8d: {  	s2 =	sadd.s32 s2, s17  }
0x8e: {  	[smem:$0x3FC6] =	sst s2  }
0x8f: {  	_ = 	snop  }
0x90: {  	s2 =	sld [smem:$0x3FD0];
	(tm) =	ssettm $0x1  }
0x91: {  	s18 =	sld [smem:$0x3FFB];
	_ =	sdelay $0x3  }
0x92: {  	_ =	strace s18  }
0x93: {  	s3 =	sld [smem:$0x3FFC];
	_ =	sdelay $0x3  }
0x94: {  	_ =	strace s3  }
0x95: {  	s3 =	sld [smem:$0x3FFD];
	_ =	sdelay $0x3  }
0x96: {  	_ =	strace s3  }
0x97: {  	_ =	strace $0x8FFFFFFF  }
0x98: {  	s19 =	sld [smem:$0x3FDB];
	_ =	sdelay $0x1  }
0x99: {  	s4 =	simm.s32 $_scs_section_size  }
0x9a: {  	s5 =	simm.s32 $_size__tile_overlayer_lowered;
	s6 =	simm.s32 $_tile_overlayer_lowered  }
0x9b: {  	s22 =	simm.s32 $0x1BFF;
	s21 =	sshll.u32 s6, $0x1;
	s3 =	sadd.s32 s4, s19  }
0x9c: {  	s7 =	simm.s32 $0x0;
	s20 =	sshll.u32 s5, $0x1;
	s5 =	sadd.s32 s21, s3  }
0x9d: {  	[timem:s7], [sflag:s22] =	dma.local [hbm:s5], s20  }
0x9e: {  	_ =	swait.ge [sflag:s22], s20  }
0x9f: {  	s4 =	ssub.s32 $0x0, s20;
	[sflag:s22] =	ssyncset.done $0x0  }
0xa0: {  	[sflag:s22] =	ssyncadd.s32 s4;
	_ =	sdelay $0x1  }
0xa1: {  	s23 =	simm.s32 $0x1B8B  }
0xa2: {  	_ =	swait.ge [sflag:s23], $0x1  }
0xa3: {  	[sflag:s23] =	ssyncset.done $0x0  }
0xa4: {  	s25 =	simm.s32 $0x1B8E;
	s24 =	sld [smem:$0x3FFE];
	[sflag:s23] =	ssyncadd.s32 $0xFFFFFFFF  }
0xa5: {  	s26 =	simm.s32 $execute0_lowered;
	[smem:$0x3FD2] =	sst s25  }
0xa6: {  	s5 =	sshll.u32 s26, $0x1;
	_ =	strace $0x80000046;
	[dreg:$0x1] =	wrdreg $0xFFFFFFFF  }
0xa7: {  	s28 =	simm.s32 $_size_execute0_lowered;
	s3 =	sadd.s32 s3, s5;
	[dreg:$0x0] =	wrdreg $0x0  }
0xa8: {  	s5 =	sshll.u32 s28, $0x1;
	[dreg:$0x2] =	wrdreg s3  }
0xa9: {  	[dreg:$0x3] =	wrdreg s5  }
0xaa: {  	[dreg:$0x4] =	wrdreg $0xC0  }
0xab: {  	_ =	task [dreg:s7], $0x5FFFF  }
0xac: {  	[dreg:$0x1] =	wrdreg $0xFFFFFFFF  }
0xad: {  	[dreg:$0x0] =	wrdreg $0x60  }
0xae: {  	[dreg:$0x2] =	wrdreg s24  }
0xaf: {  	[dreg:$0x3] =	wrdreg s2  }
0xb0: {  	[dreg:$0x4] =	wrdreg $0x9  }
0xb1: {  	_ =	task.clear_ibuf [dreg:s7], $0x5FFFF;
	_ =	strace $0x90000046  }
0xb2: {  	s29 =	simm.s32 $0x9;
	_ =	strace $0x80000048  }
0xb3: {  	_ =	swait.ge [sflag:s29], $0x1  }
0xb4: {  	[sflag:s29] =	ssyncadd.s32 $0xFFFFFFFF  }
0xb5: {  	_ =	strace $0x90000048  }
0xb6: {  	_ =	sfence  }
0xb7: {  	s30 =	sld [smem:$0x0];
	_ =	sdelay $0x2  }
0xb8: {  	s31 =	sshll.u32 s1, $0xD;
	s1 =	sshrl.u32 s1, $0x2  }
0xb9: {  	s3 =	sand.u32 $0x4000, s31;
	s1 =	sadd.s32 s1, s30  }
0xba: {  	s0 =	sor.u32 s3, s0;
	s1 =	sshll.u32 s1, $0x11  }
0xbb: {  	s0 =	sor.u32 s1, s0  }
0xbc: {  	s0 =	sadd.s32 $0x8F2B, s0  }
0xbd: {  	[sflag:s0] =	ssyncadd.remote.s32 $0x1  }
0xbe: {  	_ =	sfence.sel $0xFFFF  }
0xbf: {  	[dreg:$0x0] =	wrdreg $0xFFFFFFFF;
	(pc) =	sbr.abs _section_cstart, $3  }
0xc0: {  	[dreg:$0x1] =	wrdreg $0xFFFFFFFF  }
0xc1: {  	_ =	task.clear_ibuf [dreg:s7], $0x2FFFF;
	_ =	strace $0x9FFFFFFF  }
0xc2: {  	(tm) =	ssettm $0x7FFFFFFF  }
0xc3: {  	_ =	shalt  }
tec
execute0_lowered:
.L_overlay_start_1:
0x0: {  	(tag) =	ssettag $0x1  }
0x1: {  	s1 =	srdreg.scid  }
0x2: {  	s0 =	stileid.u32;
	s4 =	rddreg [dreg:$0x0]  }
0x3: {  	s7 =	rddreg [dreg:$0x1];
	s2 =	simm.s32 $0x0;
	s12 =	simm.s32 $0x200  }
0x4: {  	s13 =	simm.s32 $0x14800;
	s14 =	simm.s32 $0x300;
	s15 =	simm.s32 $0x18800  }
0x5: {  	s16 =	simm.s32 $0x1;
	s17 =	simm.s32 $0x2;
	s18 =	simm.s32 $0x0  }
0x6: {  	s3 =	sand.u32 $0x1, s1;
	s29 =	sshll.u32 s0, $0x1;
	s1 =	rddreg [dreg:$0x2]  }
0x7: {  	[smem:$0x7FF] =	sst s2;
	s8 =	smul.u32 $0x640000, s0;
	s5 =	sor.u32 s3, s29  }
0x8: {  	_ =	strace $0x80000047;
	s9 =	ssub.s32 $0x2, s3;
	s10 =	smul.u32 $0x320000, s3  }
0x9: {  	s3 =	sadd.s32 $0xF74C00, s4;
	s6 =	smul.u32 $0x1900, s5;
	s11 =	sshrl.u32 s9, $0x1  }
0xa: {  	s5 =	smul.u32 $0x320000, s5;
	s30 =	ssub.s32 s9, s11;
	s8 =	sadd.s32 s10, s8  }
0xb: {  	s9 =	simm.s32 $0x100;
	s10 =	simm.s32 $0xC800;
	s11 =	simm.s32 $0x10800  }
0xc: {  	s4 =	sadd.s32 s6, s4;
	s31 =	sshrl.u32 s5, $0x3;
	s8 =	sor.u32 $0x4000, s8  }
0xd: {  	s5 =	smax.u32 s30, $0x1;
	s4 =	sadd.s32 $0x800, s4;
	s8 =	sshrl.u32 s8, $0x3  }
0xe: {  	s6 =	sadd.s32 s7, s31;
	s7 =	sadd.s32 s8, s7;
	s8 =	simm.s32 $0x3  }
.LBB2_1:
0xf: {  	[tilespmem:s2], [sflag:$0x3] =	stream.linear.gather [hbm4b:s4+s2], $0xC800, $0x38;
	[tilespmem:$0x1C800] =	vst v63  }
0x10: {  	_ =	swait.ge [sflag:s8], $0xC800  }
0x11: {  	[sflag:s8] =	ssyncset.done $0x0  }
0x12: {  	[sflag:s8] =	ssyncadd.s32 $0xFFFF3800  }
0x13: {  	[tilespmem:s10], [sflag:$0x1] =	stream.indirect.gather [hbm4b:s3+s9], $0x40, s2, s9, $0xb8;
	[tilespmem:$0x1C800] =	vst v63  }
0x14: {  	_ = 	snop  }
0x15: {  	[tilespmem:s11], [sflag:$0x1] =	stream.indirect.gather [hbm4b:s3+s9], $0x40, s9, s9, $0xb8;
	[tilespmem:$0x1C800] =	vst v63  }
0x16: {  	_ = 	snop  }
0x17: {  	[tilespmem:s13], [sflag:$0x1] =	stream.indirect.gather [hbm4b:s3+s9], $0x40, s12, s9, $0xb8;
	[tilespmem:$0x1C800] =	vst v63  }
0x18: {  	_ =	swait.ge [sflag:s16], $0x4000  }
0x19: {  	[sflag:s16] =	ssyncset.done $0x0  }
0x1a: {  	[sflag:s16] =	ssyncadd.s32 $0xFFFFC000  }
0x1b: {  	[hbm4b:s6+s2] =	stream.linear.scatter [tilespmem:s10], [sflag:$0x2], $0x4000, $0x38;
	[tilespmem:$0x1C800] =	vst v63  }
0x1c: {  	s22 =	simm.s32 $0x40000;
	s20 =	simm.s32 $0x10000;
	s19 =	simm.s32 $0x400  }
0x1d: {  	[tilespmem:s15], [sflag:$0x1] =	stream.indirect.gather [hbm4b:s3+s9], $0x40, s14, s9, $0xb8;
	[tilespmem:$0x1C800] =	vst v63  }
0x1e: {  	p0 =	por $0x0, $0x0;
	s21 =	sand.u32 $0x30000, s20;
	_ =	swait.ge [sflag:s16], $0x4000  }
0x1f: {  	s20 =	simm.s32 $0x2;
	s23 =	sshrl.u32 s21, $0x2;
	[sflag:s16] =	ssyncset.done $0x0  }
0x20: {  	s25 =	simm.s32 @!p0 $0x100;
	s23 =	sadd.s32 $0xC800, s23;
	[sflag:s16] =	ssyncadd.s32 $0xFFFFC000  }
0x21: {  	[hbm4b:s7+s2] =	stream.linear.scatter [tilespmem:s23], [sflag:$0x2], $0x4000, $0x38;
	[tilespmem:$0x1C800] =	vst v63  }
0x22: {  	s21 =	simm.s32 $0x500;
	s23 =	sand.u32 @!p0 $0x30000, s22;
	_ =	swait.ge [sflag:s17], $0x4000  }
0x23: {  	s22 =	simm.s32 $0x50000;
	s24 =	sshrl.u32 @!p0 s23, $0x2;
	[sflag:s17] =	ssyncset.done $0x0  }
0x24: {  	s23 =	sadd.s32 $0x800, s7;
	s24 =	sadd.s32 @!p0 $0xC800, s24;
	[sflag:s17] =	ssyncadd.s32 $0xFFFFC000  }
.LBB2_2:
0x25: {  	[tilespmem:s24], [sflag:$0x1] =	stream.indirect.gather @!p0 [hbm4b:s3+s25], $0x40, s19, s25, $0xb8;
	[tilespmem:$0x1C800] =	vst v63  }
0x26: {  	s24 =	smov.u32 s20;
	s19 =	smov.u32 s21  }
0x27: {  	s25 =	sadd.s32 $0xFFFD0000, s22;
	s20 =	sadd.s32 $0x1, s20;
	_ =	swait.ge [sflag:s16], $0x4000  }
0x28: {  	s25 =	sand.u32 $0x30000, s25;
	p1 =	sne.s32 s20, $0xC8;
	[sflag:s16] =	ssyncset.done $0x0  }
0x29: {  	s21 =	sadd.s32 $0x100, s21;
	s25 =	sshrl.u32 s25, $0x2;
	[sflag:s16] =	ssyncadd.s32 $0xFFFFC000  }
.Ltmp0:
0x2a: {  	p0 =	sgt.u32 s24, $0xC4;
	s25 =	sadd.s32 $0xC800, s25;
	(pc) =	sbr.rel @p1 .LBB2_2-.Ltmp0, $4  }
0x2b: {  	[hbm4b:s23+s2] =	stream.linear.scatter [tilespmem:s25], [sflag:$0x2], $0x4000, $0x38;
	[tilespmem:$0x1C800] =	vst v63  }
0x2c: {  	s24 =	sand.u32 @!p0 $0x30000, s22;
	s22 =	sadd.s32 $0x10000, s22;
	_ =	swait.ge [sflag:s17], $0x4000  }
0x2d: {  	s24 =	sshrl.u32 @!p0 s24, $0x2;
	s23 =	sadd.s32 $0x800, s23;
	[sflag:s17] =	ssyncset.done $0x0  }
0x2e: {  	s24 =	sadd.s32 @!p0 $0xC800, s24;
	s25 =	simm.s32 @!p0 $0x100;
	[sflag:s17] =	ssyncadd.s32 $0xFFFFC000  }
0x2f: {  	[tilespmem:s24], [sflag:$0x1] =	stream.indirect.gather @!p0 [hbm4b:s3+s25], $0x40, s19, s25, $0xb8;
	[tilespmem:$0x1C800] =	vst v63  }
0x30: {  	s18 =	sadd.s32 $0x1, s18  }
0x31: {  	p0 =	sne.s32 s18, s5  }
.Ltmp1:
0x32: {  	_ = 	snop;
	(pc) =	sbr.rel @p0 .LBB2_1-.Ltmp1, $4  }
0x33: {  	_ = 	snop  }
0x34: {  	_ =	swait.ge [sflag:s17], $0x4000  }
0x35: {  	[sflag:s17] =	ssyncset.done $0x0  }
0x36: {  	[sflag:s17] =	ssyncadd.s32 $0xFFFFC000  }
0x37: {  	_ =	sfence.sel $0x180000  }
0x38: {  	[bflag:$0x0] =	sbarrier.arrive $0xFFFF  }
0x39: {  	p0 =	sne.s32 s0, $0x0;
	_ =	strace $0x90000047  }
0x3a: {  	s0 =	sadd.s32 @!p0 $0x100000, s1;
	[bflag:$0x2] =	sbarrier.arrive $0xFFFF  }
0x3b: {  	[sflag:s0] =	ssyncadd.tile.s32 @!p0 $0x1;
	_ =	shalt  }
.Lfunc_end2:
_tile_overlayer_lowered:
.L_overlay_start_2:
0x3c: {  	(tag) =	ssettag $0x2  }
0x3d: {  	s0 =	rddreg [dreg:$0x0];
	s2 =	stileid.u32  }
0x3e: {  	s1 =	rddreg [dreg:$0x1];
	p0 =	sne.s32 s2, $0x0  }
0x3f: {  	s3 =	rddreg [dreg:$0x2];
	[bflag:$0x3] =	sbarrier.arrive $0xFFFF;
	s2 =	simm.s32 @!p0 $0x1C03  }
0x40: {  	[timem:s3], [sflag:s2] =	dma.local @!p0 [hbm:s0], s1  }
0x41: {  	s0 =	simm.s32 @!p0 $0x3  }
0x42: {  	_ =	swait.ge @!p0 [sflag:s0], s1  }
0x43: {  	s1 =	ssub.s32 @!p0 $0x0, s1;
	[sflag:s0] =	ssyncset.done @!p0 $0x0  }
0x44: {  	[sflag:s0] =	ssyncadd.s32 @!p0 s1  }
0x45: {  	[bflag:$0x3] =	sbarrier.arrive $0xFFFF  }
0x46: {  	_ =	shalt  }

// kernel: sparse-core-data-format-call.cloned.1.call-start
scs
called_computation_lowered:
.L_overlay_start_0:
0x0: {  	s2 =	sld [smem:$0x3FD9]  }
0x1: {  	s3 =	sld [smem:$0x3FFE];
	_ =	sdelay $0x1  }
0x2: {  	s1 =	srdreg.scid  }
0x3: {  	s0 =	sand.u32 $0x1, s1  }
0x4: {  	s18 =	sshll.u32 s0, $0xA;
	s2 =	sadd.s32 s3, s2  }
0x5: {  	s2 =	sadd.s32 s2, s18  }
0x6: {  	[smem:$0x3FC6] =	sst s2  }
0x7: {  	_ = 	snop  }
0x8: {  	s2 =	sld [smem:$0x3FD0];
	(tm) =	ssettm $0x1  }
0x9: {  	s19 =	sld [smem:$0x3FFB];
	_ =	sdelay $0x3  }
0xa: {  	_ =	strace s19  }
0xb: {  	s3 =	sld [smem:$0x3FFC];
	_ =	sdelay $0x3  }
0xc: {  	_ =	strace s3  }
0xd: {  	s3 =	sld [smem:$0x3FFD];
	_ =	sdelay $0x3  }
0xe: {  	_ =	strace s3  }
0xf: {  	_ =	strace $0x8FFFFFFF  }
0x10: {  	s20 =	sld [smem:$0x3FDB];
	_ =	sdelay $0x1  }
0x11: {  	s4 =	simm.s32 $_scs_section_size  }
0x12: {  	s5 =	simm.s32 $_size__tile_overlayer_lowered;
	s6 =	simm.s32 $_tile_overlayer_lowered  }
0x13: {  	s23 =	simm.s32 $0x1BFF;
	s22 =	sshll.u32 s6, $0x1;
	s3 =	sadd.s32 s4, s20  }
0x14: {  	s7 =	simm.s32 $0x0;
	s21 =	sshll.u32 s5, $0x1;
	s5 =	sadd.s32 s22, s3  }
0x15: {  	[timem:s7], [sflag:s23] =	dma.local [hbm:s5], s21  }
0x16: {  	_ =	swait.ge [sflag:s23], s21  }
0x17: {  	s4 =	ssub.s32 $0x0, s21;
	[sflag:s23] =	ssyncset.done $0x0  }
0x18: {  	[sflag:s23] =	ssyncadd.s32 s4;
	_ =	sdelay $0x1  }
0x19: {  	s24 =	simm.s32 $0x1B8B  }
0x1a: {  	_ =	swait.ge [sflag:s24], $0x1  }
0x1b: {  	[sflag:s24] =	ssyncset.done $0x0  }
0x1c: {  	s26 =	simm.s32 $0x1B8E;
	s25 =	sld [smem:$0x3FFE];
	[sflag:s24] =	ssyncadd.s32 $0xFFFFFFFF  }
0x1d: {  	s27 =	simm.s32 $execute0_lowered;
	[smem:$0x3FD2] =	sst s26  }
0x1e: {  	s5 =	sshll.u32 s27, $0x1;
	_ =	strace $0x80000049;
	[dreg:$0x1] =	wrdreg $0xFFFFFFFF  }
0x1f: {  	s28 =	simm.s32 $_size_execute0_lowered;
	s3 =	sadd.s32 s3, s5;
	[dreg:$0x0] =	wrdreg $0x0  }
0x20: {  	s5 =	sshll.u32 s28, $0x1;
	[dreg:$0x2] =	wrdreg s3  }
0x21: {  	[dreg:$0x3] =	wrdreg s5  }
0x22: {  	[dreg:$0x4] =	wrdreg $0xC0  }
0x23: {  	_ =	task [dreg:s7], $0x5FFFF  }
0x24: {  	[dreg:$0x1] =	wrdreg $0xFFFFFFFF  }
0x25: {  	[dreg:$0x0] =	wrdreg $0x60  }
0x26: {  	[dreg:$0x2] =	wrdreg s25  }
0x27: {  	[dreg:$0x3] =	wrdreg s2  }
0x28: {  	[dreg:$0x4] =	wrdreg $0x9  }
0x29: {  	_ =	task.clear_ibuf [dreg:s7], $0x5FFFF;
	_ =	strace $0x90000049  }
0x2a: {  	s29 =	simm.s32 $0x9;
	_ =	strace $0x8000004B  }
0x2b: {  	_ =	swait.ge [sflag:s29], $0x1  }
0x2c: {  	[sflag:s29] =	ssyncadd.s32 $0xFFFFFFFF  }
0x2d: {  	_ =	strace $0x9000004B  }
0x2e: {  	_ =	sfence  }
0x2f: {  	s30 =	sld [smem:$0x0];
	_ =	sdelay $0x2  }
0x30: {  	s31 =	sshll.u32 s1, $0xD;
	s1 =	sshrl.u32 s1, $0x2  }
0x31: {  	s3 =	sand.u32 $0x4000, s31;
	s1 =	sadd.s32 s1, s30  }
0x32: {  	s0 =	sor.u32 s3, s0;
	s1 =	sshll.u32 s1, $0x11  }
0x33: {  	s0 =	sor.u32 s1, s0  }
0x34: {  	s0 =	sadd.s32 $0x8F2B, s0  }
0x35: {  	[sflag:s0] =	ssyncadd.remote.s32 $0x1  }
0x36: {  	_ =	sfence.sel $0xFFFF  }
0x37: {  	[dreg:$0x0] =	wrdreg $0xFFFFFFFF;
	(pc) =	sbr.abs _section_cstart, $3  }
0x38: {  	[dreg:$0x1] =	wrdreg $0xFFFFFFFF  }
0x39: {  	_ =	task.clear_ibuf [dreg:s7], $0x2FFFF;
	_ =	strace $0x9FFFFFFF  }
0x3a: {  	(tm) =	ssettm $0x7FFFFFFF  }
0x3b: {  	_ =	shalt  }
tec
execute0_lowered:
.L_overlay_start_1:
0x0: {  	(tag) =	ssettag $0x1  }
0x1: {  	s0 =	srdreg.scid  }
0x2: {  	s1 =	sshll.u32 s0, $0x4  }
0x3: {  	s4 =	rddreg [dreg:$0x0];
	s0 =	stileid.u32;
	s1 =	sand.u32 $0x10, s1  }
0x4: {  	s2 =	rddreg [dreg:$0x1];
	s7 =	simm.s32 $0x1;
	s1 =	sor.u32 s0, s1  }
0x5: {  	s8 =	simm.s32 $0x2;
	s11 =	simm.s32 $0x0;
	s3 =	sshll.u32 s1, $0x7  }
0x6: {  	s10 =	simm.s32 $0x0;
	s4 =	sadd.s32 $0x800, s4;
	s6 =	ssub.s32 $0x190000, s3  }
.Ltmp0:
0x7: {  	s1 =	rddreg [dreg:$0x2];
	s5 =	sand.u32 $0xF80, s6;
	(pc) =	sbr.rel .LBB1_1-.Ltmp0, $4  }
0x8: {  	_ =	strace $0x8000004A;
	s9 =	smov.u32 s3;
	p0 =	sne.s32 s5, $0x0  }
0x9: {  	s6 =	sshrl.u32 s6, $0xC;
	s5 =	simm.s32 $0x1;
	s7 =	simm.s32 @!p0 $0x0  }
0xa: {  	[sflag:s5] =	ssyncpa.u1 $0x0;
	p0 =	por $0x0, $0x0;
	s6 =	sadd.s32 s7, s6  }
0xb: {  	[sflag:s8] =	ssyncpa.u1 $0x0;
	s8 =	simm.s32 $0xC80000;
	s7 =	sadd.s32 $0x1, s6  }
.LBB1_4:
0xc: {  	s14 =	sshll.u32 s11, $0x3  }
0xd: {  	s30 =	sand.u32 $0x7F, s11;
	s15 =	sand.u32 $0xFFFFFC00, s14  }
0xe: {  	s11 =	sor.u32 s30, s15  }
0xf: {  	s15 =	smulhi.u32 $0x51EB851F, s11  }
0x10: {  	s14 =	smulhi.u32 $0x51EB851F, s14  }
0x11: {  	s15 =	sshrl.u32 s15, $0x13  }
0x12: {  	s14 =	sshrl.u32 s14, $0x13;
	s15 =	smul.u32 $0x190000, s15  }
0x13: {  	s14 =	sand.u32 $0x3F, s14  }
0x14: {  	s14 =	smul.u32 $0x32000, s14;
	s11 =	ssub.s32 s11, s15  }
0x15: {  	[tilespmem:s13+$0x810 ss:$0x81] =	vst.msk $0xffff, v2;
	s15 =	sand.u32 $0x7, s11  }
0x16: {  	[tilespmem:s13+$0x1020 ss:$0x81] =	vst.msk $0xffff, v0;
	s14 =	sadd.s32 s2, s14;
	s11 =	sshrl.u32 s11, $0x3;
	s15 =	sshll.u32 s15, $0x12  }
0x17: {  	[tilespmem:s13+$0x0 ss:$0x81] =	vst.msk $0xffff, v1;
	s11 =	sadd.s32 s11, s14;
	s31 =	sor.u32 $0x400, s15  }
0x18: {  	[hbm4b:s11+s31] =	stream.strided.scatter [tilespmem:s12], [sflag:$0x2], $0x2000, s8, s31, $0x20;
	[tilespmem:$0x8080] =	vst v63  }
.LBB1_5:
0x19: {  	s13 =	sadd.s32 $0x1000, s9  }
0x1a: {  	p2 =	sgt.s32 s13, $0x18FFFF  }
0x1b: {  	s13 =	smov.u32 @p2 s3;
	p2 =	sne.s32 s10, s7  }
.Ltmp1:
0x1c: {  	p1 =	slt.u32 s10, $0x2;
	(pc) =	sbr.rel @!p2 .LBB1_6-.Ltmp1, $4  }
0x1d: {  	s12 =	simm.s32 @!p1 $0x2  }
0x1e: {  	s14 =	sadd.s32 $0x1, s10;
	_ =	swait.ge @!p1 [sflag:s12], $0x2000  }
0x1f: {  	s11 =	smov.u32 s9;
	p0 =	por !p0, !p0;
	[sflag:s12] =	ssyncset.done @!p1 $0x0  }
0x20: {  	s10 =	smov.u32 s14;
	s9 =	smov.u32 s13;
	[sflag:s12] =	ssyncadd.s32 @!p1 $0xFFFFE000  }
.LBB1_1:
0x21: {  	p1 =	sge.u32 s10, s6  }
0x22: {  	s12 =	sand.u32 @!p1 $0x1FFFFFF, s9  }
0x23: {  	s13 =	smulhi.u32 @!p1 $0x147AE15, s12;
	_ =	sdelay $0x1  }
0x24: {  	s13 =	sshrl.u32 @!p1 s13, $0xD  }
0x25: {  	s13 =	smul.u32 @!p1 $0x190000, s13;
	_ =	sdelay $0x1  }
0x26: {  	s31 =	sadd.s32 $0xFFFFFFFF, s10;
	s14 =	sxor.u32 @!p1 $0xFFFFFFFF, s10;
	s12 =	ssub.s32 @!p1 s12, s13  }
0x27: {  	s15 =	simm.s32 @!p1 $0x80;
	s14 =	sshll.u32 @!p1 s14, $0xD;
	s12 =	sshll.u32 @!p1 s12, $0x4  }
0x28: {  	s13 =	sand.u32 @!p1 $0x2000, s14;
	s14 =	simm.s32 @!p1 $0x40;
	s12 =	sadd.s32 @!p1 s4, s12  }
0x29: {  	[tilespmem:s13], [sflag:$0x1] =	stream.strided.gather @!p1 [hbm4b:s12+s14], $0x2000, s15, s14, $0x38;
	[tilespmem:$0x8080] =	vst v63  }
0x2a: {  	p1 =	sge.u32 s31, s6  }
.Ltmp2:
0x2b: {  	_ = 	snop;
	(pc) =	sbr.rel @p1 .LBB1_5-.Ltmp2, $1  }
0x2c: {  	_ =	sdelay $0x3  }
0x2d: {  	s12 =	simm.s32 $0x1  }
0x2e: {  	_ =	swait.ge [sflag:s5], $0x2000;
	s12 =	simm.s32 @!p0 $0x0  }
0x2f: {  	[sflag:s5] =	ssyncset.done $0x0;
	s13 =	sshll.u32 s12, $0xD  }
0x30: {  	[sflag:s5] =	ssyncadd.s32 $0xFFFFE000;
	s16 =	sor.u32 $0x20, s13  }
0x31: {  	s12 =	smul.u32 $0x8100, s12;
	v3 =	vld [tilespmem:s16+$0x10]  }
0x32: {  	s30 =	sand.u32 $0x1, s10;
	v2 =	vld [tilespmem:s16+$0xFFFFFFF0]  }
0x33: {  	s13 =	smul.u32 $0x8100, s30;
	s12 =	sshrl.u32 s12, $0x2;
	v0 =	vld [tilespmem:s16+$0x0]  }
0x34: {  	v1 =	vld [tilespmem:s16+$0xFFFFFFE0];
	s14 =	sor.u32 $0x4000, s12  }
0x35: {  	s31 =	sshrl.u32 s13, $0x2;
	s13 =	sadd.s32 $0x0, s14  }
0x36: {  	s15 =	simm.s32 $0x4;
	s16 =	sadd.s32 $0x40, s16;
	s12 =	sor.u32 $0x4000, s31;
	[tilespmem:s13+$0x1830 ss:$0x81] =	vst.msk $0xffff, v3  }
.LBB1_3:
0x37: {  	v3 =	vld [tilespmem:s16+$0x10];
	p1 =	sne.s32 s15, $0x1FC;
	[tilespmem:s13+$0x810 ss:$0x81] =	vst.msk $0xffff, v2;
	s17 =	smov.u32 s15;
	s15 =	sadd.s32 $0x4, s15  }
.Ltmp3:
0x38: {  	v2 =	vld [tilespmem:s16+$0xFFFFFFF0];
	[tilespmem:s13+$0x1020 ss:$0x81] =	vst.msk $0xffff, v0;
	(pc) =	sbr.rel @p1 .LBB1_3-.Ltmp3, $4  }
0x39: {  	v0 =	vld [tilespmem:s16+$0x0];
	[tilespmem:s13+$0x0 ss:$0x81] =	vst.msk $0xffff, v1  }
0x3a: {  	s13 =	sshra.s32 s17, $0x2;
	v1 =	vld [tilespmem:s16+$0xFFFFFFE0]  }
0x3b: {  	s13 =	sadd.s32 s13, s14  }
0x3c: {  	s16 =	sadd.s32 $0x40, s16;
	[tilespmem:s13+$0x1830 ss:$0x81] =	vst.msk $0xffff, v3  }
.Ltmp4:
0x3d: {  	_ = 	snop;
	(pc) =	sbr.rel .LBB1_4-.Ltmp4, $1  }
0x3e: {  	_ =	sdelay $0x3  }
.LBB1_6:
0x3f: {  	_ =	sfence.sel $0x180000  }
0x40: {  	s2 =	simm.s32 $0x1;
	[bflag:$0x0] =	sbarrier.arrive $0xFFFF  }
0x41: {  	s31 =	simm.s32 $0x2;
	[sflag:s2] =	ssyncpa.u1 $0x1  }
0x42: {  	[sflag:s31] =	ssyncpa.u1 $0x1  }
0x43: {  	p0 =	sne.s32 s0, $0x0;
	_ =	strace $0x9000004A  }
0x44: {  	s0 =	sadd.s32 @!p0 $0x100000, s1;
	[bflag:$0x2] =	sbarrier.arrive $0xFFFF  }
0x45: {  	[sflag:s0] =	ssyncadd.tile.s32 @!p0 $0x1;
	_ =	shalt  }
.Lfunc_end1:
_tile_overlayer_lowered:
.L_overlay_start_2:
0x46: {  	(tag) =	ssettag $0x2  }
0x47: {  	s0 =	rddreg [dreg:$0x0];
	s2 =	stileid.u32  }
0x48: {  	s1 =	rddreg [dreg:$0x1];
	p0 =	sne.s32 s2, $0x0  }
0x49: {  	s3 =	rddreg [dreg:$0x2];
	[bflag:$0x3] =	sbarrier.arrive $0xFFFF;
	s2 =	simm.s32 @!p0 $0x1C01  }
0x4a: {  	[timem:s3], [sflag:s2] =	dma.local @!p0 [hbm:s0], s1  }
0x4b: {  	s0 =	simm.s32 @!p0 $0x1  }
0x4c: {  	_ =	swait.ge @!p0 [sflag:s0], s1  }
0x4d: {  	s1 =	ssub.s32 @!p0 $0x0, s1;
	[sflag:s0] =	ssyncset.done @!p0 $0x0  }
0x4e: {  	[sflag:s0] =	ssyncadd.s32 @!p0 s1  }
0x4f: {  	[bflag:$0x3] =	sbarrier.arrive $0xFFFF  }
0x50: {  	_ =	shalt  }

</sc_bundles>
